<compile_context>
chip_gen: v7x
topology: tpu7x:2x2x1
jax: 0.10.2.dev20260603
libtpu: 0.0.44.dev20260713+nightly
codegen_flags: <defaults>
</compile_context>

<pallas_src>
import functools
import math

import jax
import jax.numpy as jnp
from jax import lax
from jax.experimental import pallas as pl
from jax.experimental.pallas import tpu as pltpu
from jax.experimental.pallas import tpu_sc as plsc

_B = 1024
_N = 100000
_I = 16
_D = 16
_R = 8

_NW = 32
_P = 3136
_NP = _NW * _P


def _table_body(emb_ref, wp_ref, bp_ref, g_ref, bt_ref,
                ws_ref, bs_ref, wb_ref, bb_ref, s_ref, b_ref):
    emb = emb_ref[...]
    h = jax.lax.dot_general(emb, wp_ref[...],
                            (((1,), (1,)), ((), ())),
                            preferred_element_type=jnp.float32)
    h = h + bp_ref[...]
    mu = jnp.mean(h, axis=1, keepdims=True)
    var = jnp.mean((h - mu) ** 2, axis=1, keepdims=True)
    h = (h - mu) * jax.lax.rsqrt(var + 1e-5) * g_ref[...] + bt_ref[...]
    h = 0.5 * h * (1.0 + jax.lax.erf(h * (1.0 / math.sqrt(2.0))))
    s_ref[...] = 0.5 * (jnp.sum(h * ws_ref[...], axis=1, keepdims=True)
                        + bs_ref[0, 0]).T
    b_ref[...] = 0.5 * (jnp.sum(h * wb_ref[...], axis=1, keepdims=True)
                        + bb_ref[0, 0]).T


def _sc_lookup(idx_hbm, stab_hbm, btab_hbm, s_out, b_out,
               idx_v, sv, bv, stab_v, btab_v):
    wid = lax.axis_index("s") * 2 + lax.axis_index("c")
    base = wid * _P
    pltpu.sync_copy(idx_hbm.at[pl.ds(base, _P)], idx_v)
    pltpu.sync_copy(stab_hbm, stab_v)
    pltpu.sync_copy(btab_hbm, btab_v)

    stab = stab_v[...]
    btab = btab_v[...]

    def body(j, c):
        iv = idx_v[pl.ds(j * 16, 16)]
        sv[pl.ds(j * 16, 16)] = stab[iv]
        bv[pl.ds(j * 16, 16)] = btab[iv]
        return c

    lax.fori_loop(0, _P // 16, body, 0)
    pltpu.sync_copy(sv, s_out.at[pl.ds(base, _P)])
    pltpu.sync_copy(bv, b_out.at[pl.ds(base, _P)])


def _gate_manual_body(x_hbm, s_ref, b_ref, o_hbm,
                      in0, in1, out0, out1, isem, osem):
    i = pl.program_id(0)
    nr = pl.num_programs(0)
    slot = jax.lax.rem(i, 2)

    def in_copy(step, buf, k):
        return pltpu.make_async_copy(
            x_hbm.at[pl.ds(step * _R, _R), :], buf, isem.at[k])

    def out_copy(step, buf, k):
        return pltpu.make_async_copy(
            buf, o_hbm.at[pl.ds(step * _R, _R), :], osem.at[k])

    @pl.when(i == 0)
    def _():
        in_copy(0, in0, 0).start()
        in_copy(1, in1, 1).start()

    @pl.when(i >= 2)
    def _():
        @pl.when(slot == 0)
        def _():
            out_copy(i - 2, out0, 0).wait()

        @pl.when(slot == 1)
        def _():
            out_copy(i - 2, out1, 1).wait()

    def gate(xv):
        return xv * (1.0 + jnp.tanh(xv * s_ref[...] + b_ref[...]))

    @pl.when(slot == 0)
    def _():
        in_copy(i, in0, 0).wait()
        out0[...] = gate(in0[...])
        out_copy(i, out0, 0).start()

        @pl.when(i + 2 < nr)
        def _():
            in_copy(i + 2, in0, 0).start()

    @pl.when(slot == 1)
    def _():
        in_copy(i, in1, 1).wait()
        out1[...] = gate(in1[...])
        out_copy(i, out1, 1).start()

        @pl.when(i + 2 < nr)
        def _():
            in_copy(i + 2, in1, 1).start()

    @pl.when(i == nr - 1)
    def _():
        @pl.when(slot == 0)
        def _():
            out_copy(i - 1, out1, 1).wait()
            out_copy(i, out0, 0).wait()

        @pl.when(slot == 1)
        def _():
            out_copy(i - 1, out0, 0).wait()
            out_copy(i, out1, 1).wait()


@jax.jit
def kernel(x, impact_indices, emb, W_proj, b_proj, gamma, beta,
           w_scale, b_scale, w_bias, b_bias):
    n = x.shape[1]
    row = lambda v: v.reshape(1, -1).astype(jnp.float32)
    const = lambda shape: pl.BlockSpec(shape, lambda: (0,) * len(shape))
    stab, btab = pl.pallas_call(
        _table_body,
        in_specs=[
            const((_I, _D)),
            const((_D, _D)),
            const((1, _D)),
            const((1, _D)),
            const((1, _D)),
            const((1, _D)),
            const((1, 1)),
            const((1, _D)),
            const((1, 1)),
        ],
        out_specs=[
            pl.BlockSpec((1, _I), lambda: (0, 0)),
            pl.BlockSpec((1, _I), lambda: (0, 0)),
        ],
        out_shape=[
            jax.ShapeDtypeStruct((1, _I), jnp.float32),
            jax.ShapeDtypeStruct((1, _I), jnp.float32),
        ],
    )(emb, W_proj, row(b_proj), row(gamma), row(beta),
      row(w_scale), b_scale.reshape(1, 1), row(w_bias),
      b_bias.reshape(1, 1))

    idx = jnp.pad(impact_indices, (0, _NP - n))

    mesh = plsc.VectorSubcoreMesh(core_axis_name="c", subcore_axis_name="s")
    sc = functools.partial(
        pl.kernel,
        mesh=mesh,
        out_type=[
            jax.ShapeDtypeStruct((_NP,), jnp.float32),
            jax.ShapeDtypeStruct((_NP,), jnp.float32),
        ],
        scratch_types=[
            pltpu.VMEM((_P,), jnp.int32),
            pltpu.VMEM((_P,), jnp.float32),
            pltpu.VMEM((_P,), jnp.float32),
            pltpu.VMEM((_I,), jnp.float32),
            pltpu.VMEM((_I,), jnp.float32),
        ],
    )(_sc_lookup)
    scale_half, bias_half = sc(idx, stab.reshape(_I), btab.reshape(_I))
    scale_half = scale_half[:n].reshape(1, n)
    bias_half = bias_half[:n].reshape(1, n)

    nr = x.shape[0] // _R
    return pl.pallas_call(
        _gate_manual_body,
        grid=(nr,),
        in_specs=[
            pl.BlockSpec(memory_space=pltpu.MemorySpace.HBM),
            pl.BlockSpec((1, n), lambda i: (0, 0)),
            pl.BlockSpec((1, n), lambda i: (0, 0)),
        ],
        out_specs=pl.BlockSpec(memory_space=pltpu.MemorySpace.HBM),
        out_shape=jax.ShapeDtypeStruct((x.shape[0], n), jnp.float32),
        scratch_shapes=[
            pltpu.VMEM((_R, n), jnp.float32),
            pltpu.VMEM((_R, n), jnp.float32),
            pltpu.VMEM((_R, n), jnp.float32),
            pltpu.VMEM((_R, n), jnp.float32),
            pltpu.SemaphoreType.DMA((2,)),
            pltpu.SemaphoreType.DMA((2,)),
        ],
        compiler_params=pltpu.CompilerParams(
            dimension_semantics=("arbitrary",),
        ),
    )(x, scale_half, bias_half)

# --- scband reference (transcript-rebuilt; emitter-appended) ---
"""Pipeline reference for scband-snpimpact-attention-21328807592184 (READ-ONLY COPY).

The authoritative reference and input builder live on the scoring server;
editing this copy changes nothing except your own understanding.
"""

import jax, jax.numpy as jnp
import numpy as np

B = 1024
N = 100000
I = 16
D = 16

def setup_inputs(seed: int = 0) -> dict:
    key = jax.random.key(seed)
    ks = jax.random.split(key, 8)
    x = jax.random.normal(ks[0], (B, N), dtype=jnp.float32)
    impact_indices = jax.random.randint(ks[1], (N,), 0, I, dtype=jnp.int32)
    emb = (jax.random.normal(ks[2], (I, D), dtype=jnp.float32) * 0.02)
    # xavier_normal for Linear(D, D): std = sqrt(2 / (fan_in + fan_out))
    W_proj = jax.random.normal(ks[3], (D, D), dtype=jnp.float32) * np.sqrt(2.0 / (D + D))
    b_proj = jnp.zeros((D,), dtype=jnp.float32)
    gamma = jnp.ones((D,), dtype=jnp.float32)
    beta = jnp.zeros((D,), dtype=jnp.float32)
    w_scale = jax.random.normal(ks[4], (D,), dtype=jnp.float32) * 0.005
    b_scale = jnp.zeros((), dtype=jnp.float32)
    w_bias = jax.random.normal(ks[5], (D,), dtype=jnp.float32) * 0.005
    b_bias = jnp.zeros((), dtype=jnp.float32)
    return {"x": x, "impact_indices": impact_indices, "emb": emb, "W_proj": W_proj,
            "b_proj": b_proj, "gamma": gamma, "beta": beta, "w_scale": w_scale,
            "b_scale": b_scale, "w_bias": w_bias, "b_bias": b_bias}

def reference(x, impact_indices, emb, W_proj, b_proj, gamma, beta, w_scale, b_scale, w_bias, b_bias):
    # embedding lookup: one impact label per SNP -> [N, D]
    hidden = jnp.take(emb, impact_indices, axis=0)
    hidden = hidden @ W_proj.T + b_proj
    # LayerNorm over last dim, eps=1e-5 (torch default)
    mu = jnp.mean(hidden, axis=-1, keepdims=True)
    var = jnp.mean((hidden - mu) ** 2, axis=-1, keepdims=True)
    hidden = (hidden - mu) / jnp.sqrt(var + 1e-5) * gamma + beta
    # torch nn.GELU() default = exact (erf-based)
    hidden = jax.nn.gelu(hidden, approximate=False)
    scale = hidden @ w_scale + b_scale  # [N]
    bias = hidden @ w_bias + b_bias     # [N]
    logits = x * scale + bias           # broadcast over batch
    weights = 2.0 * jax.nn.sigmoid(logits)
    return x * weights

if __name__ == "__main__":
    import jax
    _d = setup_inputs()
    print(jax.jit(kernel)(*tuple(_d.values())))

</pallas_src>

<mosaic_0001>
#map = affine_map<(d0, d1) -> (0)>
module attributes {stable_mosaic.version = 14 : i64} {
  func.func @_sc_lookup(%arg0: i32, %arg1: i32, %arg2: memref<100352xi32, #tpu.memory_space<hbm>>, %arg3: memref<16xf32, #tpu.memory_space<hbm>>, %arg4: memref<16xf32, #tpu.memory_space<hbm>>, %arg5: memref<100352xf32, #tpu.memory_space<hbm>>, %arg6: memref<100352xf32, #tpu.memory_space<hbm>>, %arg7: memref<3136xi32, #tpu.memory_space<vmem>>, %arg8: memref<3136xf32, #tpu.memory_space<vmem>>, %arg9: memref<3136xf32, #tpu.memory_space<vmem>>, %arg10: memref<16xf32, #tpu.memory_space<vmem>>, %arg11: memref<16xf32, #tpu.memory_space<vmem>>) attributes {dimension_semantics = [#tpu.dimension_semantics<core_parallel>, #tpu.dimension_semantics<subcore_parallel>], iteration_bounds = array<i64: 2, 16>, scalar_prefetch = 0 : i64, scratch_operands = 5 : i64, tpu.core_type = #tpu.core_type<sc_vector_subcore>, window_params = [{transform_indices = #map}, {transform_indices = #map}, {transform_indices = #map}, {transform_indices = #map}, {transform_indices = #map}]} {
    %mul3A = arith.constant 2 : i32
    %mul3A_0 = arith.muli %arg1, %mul3A : i32
    %add3A = arith.addi %mul3A_0, %arg0 : i32
    %mul3A_1 = arith.constant 3136 : i32
    %mul3A_2 = arith.muli %add3A, %mul3A_1 : i32
    "tpu.region"() ({
      %run_scoped3A = tpu.sem_alloc : memref<!tpu.dma_semaphore, #tpu.memory_space<semaphore_mem>>
      %dma_start3A = tpu.memref_slice %arg2[%mul3A_2] : memref<100352xi32, #tpu.memory_space<hbm>> -> memref<3136xi32, #tpu.memory_space<hbm>>
      %dma_start3A_13 = tpu.memref_slice %arg2[%mul3A_2] : memref<100352xi32, #tpu.memory_space<hbm>> -> memref<3136xi32, #tpu.memory_space<hbm>>
      tpu.enqueue_dma source(%dma_start3A_13 : memref<3136xi32, #tpu.memory_space<hbm>>) target(%arg7 : memref<3136xi32, #tpu.memory_space<vmem>>) target_semaphore(%run_scoped3A : memref<!tpu.dma_semaphore, #tpu.memory_space<semaphore_mem>>)
      %dma_wait3A = tpu.memref_slice %arg2[%mul3A_2] : memref<100352xi32, #tpu.memory_space<hbm>> -> memref<3136xi32, #tpu.memory_space<hbm>>
      %dma_wait3A_14 = tpu.memref_slice %arg2[%mul3A_2] : memref<100352xi32, #tpu.memory_space<hbm>> -> memref<3136xi32, #tpu.memory_space<hbm>>
      tpu.wait_dma2 semaphore(%run_scoped3A : memref<!tpu.dma_semaphore, #tpu.memory_space<semaphore_mem>>) src(%dma_wait3A_14 : memref<3136xi32, #tpu.memory_space<hbm>>) dst(%arg7 : memref<3136xi32, #tpu.memory_space<vmem>>)
      tpu.yield
    }) : () -> ()
    "tpu.region"() ({
      %run_scoped3A = tpu.sem_alloc : memref<!tpu.dma_semaphore, #tpu.memory_space<semaphore_mem>>
      tpu.enqueue_dma source(%arg3 : memref<16xf32, #tpu.memory_space<hbm>>) target(%arg10 : memref<16xf32, #tpu.memory_space<vmem>>) target_semaphore(%run_scoped3A : memref<!tpu.dma_semaphore, #tpu.memory_space<semaphore_mem>>)
      tpu.wait_dma2 semaphore(%run_scoped3A : memref<!tpu.dma_semaphore, #tpu.memory_space<semaphore_mem>>) src(%arg3 : memref<16xf32, #tpu.memory_space<hbm>>) dst(%arg10 : memref<16xf32, #tpu.memory_space<vmem>>)
      tpu.yield
    }) : () -> ()
    "tpu.region"() ({
      %run_scoped3A = tpu.sem_alloc : memref<!tpu.dma_semaphore, #tpu.memory_space<semaphore_mem>>
      tpu.enqueue_dma source(%arg4 : memref<16xf32, #tpu.memory_space<hbm>>) target(%arg11 : memref<16xf32, #tpu.memory_space<vmem>>) target_semaphore(%run_scoped3A : memref<!tpu.dma_semaphore, #tpu.memory_space<semaphore_mem>>)
      tpu.wait_dma2 semaphore(%run_scoped3A : memref<!tpu.dma_semaphore, #tpu.memory_space<semaphore_mem>>) src(%arg4 : memref<16xf32, #tpu.memory_space<hbm>>) dst(%arg11 : memref<16xf32, #tpu.memory_space<vmem>>)
      tpu.yield
    }) : () -> ()
    %get3A = arith.constant 0 : index
    %get3A_3 = tpu.vector_load %arg10[%get3A] {strides = array<i32>} : memref<16xf32, #tpu.memory_space<vmem>>, vector<16xf32>,
    %get3A_4 = vector.shape_cast %get3A_3 : vector<16xf32> to vector<16xf32>
    %get3A_5 = arith.constant 0 : index
    %get3A_6 = tpu.vector_load %arg11[%get3A_5] {strides = array<i32>} : memref<16xf32, #tpu.memory_space<vmem>>, vector<16xf32>,
    %get3A_7 = vector.shape_cast %get3A_6 : vector<16xf32> to vector<16xf32>
    %scan3A = arith.constant 0 : i32
    %scan3A_8 = arith.constant 0 : i32
    %scan3A_9 = arith.constant 196 : i32
    %scan3A_10 = arith.addi %scan3A_8, %scan3A_9 : i32
    %scan3A_11 = arith.constant 1 : i32
    scf.for %scan3A_13 = %scan3A_8 to %scan3A_10 step %scan3A_11  : i32 {
      %mul3A_14 = arith.constant 16 : i32
      %mul3A_15 = arith.muli %scan3A_13, %mul3A_14 : i32
      %get3A_16 = arith.index_cast %mul3A_15 : i32 to index
      %get3A_17 = tpu.vector_load %arg7[%get3A_16] {strides = array<i32>} : memref<3136xi32, #tpu.memory_space<vmem>>, vector<16xi32>,
      %get3A_18 = vector.shape_cast %get3A_17 : vector<16xi32> to vector<16xi32>
      %lt3A = arith.constant 0 : i32
      %lt3A_19 = vector.broadcast %lt3A : i32 to vector<16xi32>
      %lt3A_20 = arith.cmpi slt, %get3A_18, %lt3A_19 : vector<16xi32>
      %add3A_21 = arith.constant 16 : i32
      %add3A_22 = vector.broadcast %add3A_21 : i32 to vector<16xi32>
      %add3A_23 = arith.addi %get3A_18, %add3A_22 : vector<16xi32>
      %select_n3A = arith.select %lt3A_20, %add3A_23, %get3A_18 : vector<16xi1>, vector<16xi32>
      %broadcast_in_dim3A = vector.shape_cast %select_n3A : vector<16xi32> to vector<16x1xi32>
      %gather3A = vector.shape_cast %broadcast_in_dim3A : vector<16x1xi32> to vector<16xi32>
      %gather3A_24 = tpu.dynamic_gather %get3A_4[%gather3A] in [0] : vector<16xf32>, vector<16xi32> -> vector<16xf32>
      %mul3A_25 = arith.constant 16 : i32
      %mul3A_26 = arith.muli %scan3A_13, %mul3A_25 : i32
      %swap3A = arith.index_cast %mul3A_26 : i32 to index
      %swap3A_27 = tpu.vector_load %arg8[%swap3A] {strides = array<i32>} : memref<3136xf32, #tpu.memory_space<vmem>>, vector<16xf32>,
      %swap3A_28 = vector.shape_cast %swap3A_27 : vector<16xf32> to vector<16xf32>
      %swap3A_29 = vector.shape_cast %gather3A_24 : vector<16xf32> to vector<16xf32>
      tpu.vector_store %arg8[%swap3A], %swap3A_29 {strides = array<i32>} : memref<3136xf32, #tpu.memory_space<vmem>>, vector<16xf32>,
      %lt3A_30 = arith.constant 0 : i32
      %lt3A_31 = vector.broadcast %lt3A_30 : i32 to vector<16xi32>
      %lt3A_32 = arith.cmpi slt, %get3A_18, %lt3A_31 : vector<16xi32>
      %add3A_33 = arith.constant 16 : i32
      %add3A_34 = vector.broadcast %add3A_33 : i32 to vector<16xi32>
      %add3A_35 = arith.addi %get3A_18, %add3A_34 : vector<16xi32>
      %select_n3A_36 = arith.select %lt3A_32, %add3A_35, %get3A_18 : vector<16xi1>, vector<16xi32>
      %broadcast_in_dim3A_37 = vector.shape_cast %select_n3A_36 : vector<16xi32> to vector<16x1xi32>
      %gather3A_38 = vector.shape_cast %broadcast_in_dim3A_37 : vector<16x1xi32> to vector<16xi32>
      %gather3A_39 = tpu.dynamic_gather %get3A_7[%gather3A_38] in [0] : vector<16xf32>, vector<16xi32> -> vector<16xf32>
      %mul3A_40 = arith.constant 16 : i32
      %mul3A_41 = arith.muli %scan3A_13, %mul3A_40 : i32
      %swap3A_42 = arith.index_cast %mul3A_41 : i32 to index
      %swap3A_43 = tpu.vector_load %arg9[%swap3A_42] {strides = array<i32>} : memref<3136xf32, #tpu.memory_space<vmem>>, vector<16xf32>,
      %swap3A_44 = vector.shape_cast %swap3A_43 : vector<16xf32> to vector<16xf32>
      %swap3A_45 = vector.shape_cast %gather3A_39 : vector<16xf32> to vector<16xf32>
      tpu.vector_store %arg9[%swap3A_42], %swap3A_45 {strides = array<i32>} : memref<3136xf32, #tpu.memory_space<vmem>>, vector<16xf32>,
    }
    %scan3A_12 = arith.constant 196 : i32
    "tpu.region"() ({
      %run_scoped3A = tpu.sem_alloc : memref<!tpu.dma_semaphore, #tpu.memory_space<semaphore_mem>>
      %dma_start3A = tpu.memref_slice %arg5[%mul3A_2] : memref<100352xf32, #tpu.memory_space<hbm>> -> memref<3136xf32, #tpu.memory_space<hbm>>
      %dma_start3A_13 = tpu.memref_slice %arg5[%mul3A_2] : memref<100352xf32, #tpu.memory_space<hbm>> -> memref<3136xf32, #tpu.memory_space<hbm>>
      tpu.enqueue_dma source(%arg8 : memref<3136xf32, #tpu.memory_space<vmem>>) target(%dma_start3A_13 : memref<3136xf32, #tpu.memory_space<hbm>>) target_semaphore(%run_scoped3A : memref<!tpu.dma_semaphore, #tpu.memory_space<semaphore_mem>>)
      %dma_wait3A = tpu.memref_slice %arg5[%mul3A_2] : memref<100352xf32, #tpu.memory_space<hbm>> -> memref<3136xf32, #tpu.memory_space<hbm>>
      %dma_wait3A_14 = tpu.memref_slice %arg5[%mul3A_2] : memref<100352xf32, #tpu.memory_space<hbm>> -> memref<3136xf32, #tpu.memory_space<hbm>>
      tpu.wait_dma2 semaphore(%run_scoped3A : memref<!tpu.dma_semaphore, #tpu.memory_space<semaphore_mem>>) src(%arg8 : memref<3136xf32, #tpu.memory_space<vmem>>) dst(%dma_wait3A_14 : memref<3136xf32, #tpu.memory_space<hbm>>)
      tpu.yield
    }) : () -> ()
    "tpu.region"() ({
      %run_scoped3A = tpu.sem_alloc : memref<!tpu.dma_semaphore, #tpu.memory_space<semaphore_mem>>
      %dma_start3A = tpu.memref_slice %arg6[%mul3A_2] : memref<100352xf32, #tpu.memory_space<hbm>> -> memref<3136xf32, #tpu.memory_space<hbm>>
      %dma_start3A_13 = tpu.memref_slice %arg6[%mul3A_2] : memref<100352xf32, #tpu.memory_space<hbm>> -> memref<3136xf32, #tpu.memory_space<hbm>>
      tpu.enqueue_dma source(%arg9 : memref<3136xf32, #tpu.memory_space<vmem>>) target(%dma_start3A_13 : memref<3136xf32, #tpu.memory_space<hbm>>) target_semaphore(%run_scoped3A : memref<!tpu.dma_semaphore, #tpu.memory_space<semaphore_mem>>)
      %dma_wait3A = tpu.memref_slice %arg6[%mul3A_2] : memref<100352xf32, #tpu.memory_space<hbm>> -> memref<3136xf32, #tpu.memory_space<hbm>>
      %dma_wait3A_14 = tpu.memref_slice %arg6[%mul3A_2] : memref<100352xf32, #tpu.memory_space<hbm>> -> memref<3136xf32, #tpu.memory_space<hbm>>
      tpu.wait_dma2 semaphore(%run_scoped3A : memref<!tpu.dma_semaphore, #tpu.memory_space<semaphore_mem>>) src(%arg9 : memref<3136xf32, #tpu.memory_space<vmem>>) dst(%dma_wait3A_14 : memref<3136xf32, #tpu.memory_space<hbm>>)
      tpu.yield
    }) : () -> ()
    return
  }
}

module attributes {stable_mosaic.version = 14 : i64} {
  func.func @_table_body(%arg0: memref<16x16xf32, #tpu.memory_space<vmem>>, %arg1: memref<16x16xf32, #tpu.memory_space<vmem>>, %arg2: memref<1x16xf32, #tpu.memory_space<vmem>>, %arg3: memref<1x16xf32, #tpu.memory_space<vmem>>, %arg4: memref<1x16xf32, #tpu.memory_space<vmem>>, %arg5: memref<1x16xf32, #tpu.memory_space<vmem>>, %arg6: memref<1x1xf32, #tpu.memory_space<vmem>>, %arg7: memref<1x16xf32, #tpu.memory_space<vmem>>, %arg8: memref<1x1xf32, #tpu.memory_space<vmem>>, %arg9: memref<1x16xf32, #tpu.memory_space<vmem>>, %arg10: memref<1x16xf32, #tpu.memory_space<vmem>>) attributes {dimension_semantics = [], scalar_prefetch = 0 : i64, scratch_operands = 0 : i64, tpu.core_type = #tpu.core_type<tc>} {
    %get3A = arith.constant 0 : index
    %get3A_0 = arith.constant 0 : index
    %get3A_1 = vector.load %arg0[%get3A, %get3A_0] : memref<16x16xf32, #tpu.memory_space<vmem>>, vector<16x16xf32>
    %get3A_2 = arith.constant 0 : index
    %get3A_3 = arith.constant 0 : index
    %get3A_4 = vector.load %arg1[%get3A_2, %get3A_3] : memref<16x16xf32, #tpu.memory_space<vmem>>, vector<16x16xf32>
    %dot_general3A = arith.constant dense<0.000000e+00> : vector<16x16xf32>
    %dot_general3A_5 = tpu.matmul %get3A_1, %get3A_4, %dot_general3A {dimension_numbers = #tpu.dot_dimension_numbers<[1], [1], [0], [0], [0, 0, 1, 0], [], []>, transpose_lhs_hint = false} : vector<16x16xf32>, vector<16x16xf32>, vector<16x16xf32> -> vector<16x16xf32>
    %get3A_6 = arith.constant 0 : index
    %get3A_7 = arith.constant 0 : index
    %get3A_8 = vector.load %arg2[%get3A_6, %get3A_7] : memref<1x16xf32, #tpu.memory_space<vmem>>, vector<1x16xf32>
    %add3A = vector.broadcast %get3A_8 : vector<1x16xf32> to vector<16x16xf32>
    %add3A_9 = arith.addf %dot_general3A_5, %add3A : vector<16x16xf32>
    %reduce_sum3A = arith.constant dense<0.000000e+00> : vector<16xf32>
    %reduce_sum3A_10 = vector.multi_reduction <add>, %add3A_9, %reduce_sum3A [1] : vector<16x16xf32> to vector<16xf32>
    %broadcast_in_dim3A = vector.shape_cast %reduce_sum3A_10 : vector<16xf32> to vector<16x1xf32>
    %div3A = arith.constant 1.600000e+01 : f32
    %div3A_11 = vector.broadcast %div3A : f32 to vector<16x1xf32>
    %div3A_12 = arith.divf %broadcast_in_dim3A, %div3A_11 : vector<16x1xf32>
    %sub3A = vector.broadcast %div3A_12 : vector<16x1xf32> to vector<16x16xf32>
    %sub3A_13 = arith.subf %add3A_9, %sub3A : vector<16x16xf32>
    %integer_pow3A = arith.mulf %sub3A_13, %sub3A_13 : vector<16x16xf32>
    %reduce_sum3A_14 = arith.constant dense<0.000000e+00> : vector<16xf32>
    %reduce_sum3A_15 = vector.multi_reduction <add>, %integer_pow3A, %reduce_sum3A_14 [1] : vector<16x16xf32> to vector<16xf32>
    %broadcast_in_dim3A_16 = vector.shape_cast %reduce_sum3A_15 : vector<16xf32> to vector<16x1xf32>
    %div3A_17 = arith.constant 1.600000e+01 : f32
    %div3A_18 = vector.broadcast %div3A_17 : f32 to vector<16x1xf32>
    %div3A_19 = arith.divf %broadcast_in_dim3A_16, %div3A_18 : vector<16x1xf32>
    %sub3A_20 = vector.broadcast %div3A_12 : vector<16x1xf32> to vector<16x16xf32>
    %sub3A_21 = arith.subf %add3A_9, %sub3A_20 : vector<16x16xf32>
    %add3A_22 = arith.constant 9.99999974E-6 : f32
    %add3A_23 = vector.broadcast %add3A_22 : f32 to vector<16x1xf32>
    %add3A_24 = arith.addf %div3A_19, %add3A_23 : vector<16x1xf32>
    %rsqrt3A = math.rsqrt %add3A_24 : vector<16x1xf32>
    %mul3A = vector.broadcast %rsqrt3A : vector<16x1xf32> to vector<16x16xf32>
    %mul3A_25 = arith.mulf %sub3A_21, %mul3A : vector<16x16xf32>
    %get3A_26 = arith.constant 0 : index
    %get3A_27 = arith.constant 0 : index
    %get3A_28 = vector.load %arg3[%get3A_26, %get3A_27] : memref<1x16xf32, #tpu.memory_space<vmem>>, vector<1x16xf32>
    %mul3A_29 = vector.broadcast %get3A_28 : vector<1x16xf32> to vector<16x16xf32>
    %mul3A_30 = arith.mulf %mul3A_25, %mul3A_29 : vector<16x16xf32>
    %get3A_31 = arith.constant 0 : index
    %get3A_32 = arith.constant 0 : index
    %get3A_33 = vector.load %arg4[%get3A_31, %get3A_32] : memref<1x16xf32, #tpu.memory_space<vmem>>, vector<1x16xf32>
    %add3A_34 = vector.broadcast %get3A_33 : vector<1x16xf32> to vector<16x16xf32>
    %add3A_35 = arith.addf %mul3A_30, %add3A_34 : vector<16x16xf32>
    %mul3A_36 = arith.constant 5.000000e-01 : f32
    %mul3A_37 = vector.broadcast %mul3A_36 : f32 to vector<16x16xf32>
    %mul3A_38 = arith.mulf %mul3A_37, %add3A_35 : vector<16x16xf32>
    %mul3A_39 = arith.constant 0.707106769 : f32
    %mul3A_40 = vector.broadcast %mul3A_39 : f32 to vector<16x16xf32>
    %mul3A_41 = arith.mulf %add3A_35, %mul3A_40 : vector<16x16xf32>
    %erf3A = math.erf %mul3A_41 : vector<16x16xf32>
    %add3A_42 = arith.constant 1.000000e+00 : f32
    %add3A_43 = vector.broadcast %add3A_42 : f32 to vector<16x16xf32>
    %add3A_44 = arith.addf %add3A_43, %erf3A : vector<16x16xf32>
    %mul3A_45 = arith.mulf %mul3A_38, %add3A_44 : vector<16x16xf32>
    %get3A_46 = arith.constant 0 : index
    %get3A_47 = arith.constant 0 : index
    %get3A_48 = vector.load %arg5[%get3A_46, %get3A_47] : memref<1x16xf32, #tpu.memory_space<vmem>>, vector<1x16xf32>
    %mul3A_49 = vector.broadcast %get3A_48 : vector<1x16xf32> to vector<16x16xf32>
    %mul3A_50 = arith.mulf %mul3A_45, %mul3A_49 : vector<16x16xf32>
    %reduce_sum3A_51 = arith.constant dense<0.000000e+00> : vector<16xf32>
    %reduce_sum3A_52 = vector.multi_reduction <add>, %mul3A_50, %reduce_sum3A_51 [1] : vector<16x16xf32> to vector<16xf32>
    %broadcast_in_dim3A_53 = vector.shape_cast %reduce_sum3A_52 : vector<16xf32> to vector<16x1xf32>
    %get3A_54 = arith.constant 0 : index
    %get3A_55 = arith.constant 0 : index
    %get3A_56 = vector.load %arg6[%get3A_54, %get3A_55] : memref<1x1xf32, #tpu.memory_space<vmem>>, vector<1x1xf32>
    %get3A_57 = vector.extract %get3A_56[0, 0] : f32 from vector<1x1xf32>
    %add3A_58 = vector.broadcast %get3A_57 : f32 to vector<16x1xf32>
    %add3A_59 = arith.addf %broadcast_in_dim3A_53, %add3A_58 : vector<16x1xf32>
    %transpose3A = tpu.transpose %add3A_59, [1, 0] : vector<16x1xf32> -> vector<1x16xf32>
    %mul3A_60 = arith.constant 5.000000e-01 : f32
    %mul3A_61 = vector.broadcast %mul3A_60 : f32 to vector<1x16xf32>
    %mul3A_62 = arith.mulf %mul3A_61, %transpose3A : vector<1x16xf32>
    %swap3A = arith.constant 0 : index
    %swap3A_63 = arith.constant 0 : index
    %swap3A_64 = vector.load %arg9[%swap3A, %swap3A_63] : memref<1x16xf32, #tpu.memory_space<vmem>>, vector<1x16xf32>
    tpu.vector_store %arg9[%swap3A, %swap3A_63], %mul3A_62 {strides = array<i32>} : memref<1x16xf32, #tpu.memory_space<vmem>>, vector<1x16xf32>,
    %get3A_65 = arith.constant 0 : index
    %get3A_66 = arith.constant 0 : index
    %get3A_67 = vector.load %arg7[%get3A_65, %get3A_66] : memref<1x16xf32, #tpu.memory_space<vmem>>, vector<1x16xf32>
    %mul3A_68 = vector.broadcast %get3A_67 : vector<1x16xf32> to vector<16x16xf32>
    %mul3A_69 = arith.mulf %mul3A_45, %mul3A_68 : vector<16x16xf32>
    %reduce_sum3A_70 = arith.constant dense<0.000000e+00> : vector<16xf32>
    %reduce_sum3A_71 = vector.multi_reduction <add>, %mul3A_69, %reduce_sum3A_70 [1] : vector<16x16xf32> to vector<16xf32>
    %broadcast_in_dim3A_72 = vector.shape_cast %reduce_sum3A_71 : vector<16xf32> to vector<16x1xf32>
    %get3A_73 = arith.constant 0 : index
    %get3A_74 = arith.constant 0 : index
    %get3A_75 = vector.load %arg8[%get3A_73, %get3A_74] : memref<1x1xf32, #tpu.memory_space<vmem>>, vector<1x1xf32>
    %get3A_76 = vector.extract %get3A_75[0, 0] : f32 from vector<1x1xf32>
    %add3A_77 = vector.broadcast %get3A_76 : f32 to vector<16x1xf32>
    %add3A_78 = arith.addf %broadcast_in_dim3A_72, %add3A_77 : vector<16x1xf32>
    %transpose3A_79 = tpu.transpose %add3A_78, [1, 0] : vector<16x1xf32> -> vector<1x16xf32>
    %mul3A_80 = arith.constant 5.000000e-01 : f32
    %mul3A_81 = vector.broadcast %mul3A_80 : f32 to vector<1x16xf32>
    %mul3A_82 = arith.mulf %mul3A_81, %transpose3A_79 : vector<1x16xf32>
    %swap3A_83 = arith.constant 0 : index
    %swap3A_84 = arith.constant 0 : index
    %swap3A_85 = vector.load %arg10[%swap3A_83, %swap3A_84] : memref<1x16xf32, #tpu.memory_space<vmem>>, vector<1x16xf32>
    tpu.vector_store %arg10[%swap3A_83, %swap3A_84], %mul3A_82 {strides = array<i32>} : memref<1x16xf32, #tpu.memory_space<vmem>>, vector<1x16xf32>,
    return
  }
}

module attributes {stable_mosaic.version = 14 : i64} {
  func.func @_gate_manual_body(%arg0: i32, %arg1: memref<1024x100000xf32, #tpu.memory_space<hbm>>, %arg2: memref<1x100000xf32, #tpu.memory_space<vmem>>, %arg3: memref<1x100000xf32, #tpu.memory_space<vmem>>, %arg4: memref<1024x100000xf32, #tpu.memory_space<hbm>>, %arg5: memref<8x100000xf32, #tpu.memory_space<vmem>>, %arg6: memref<8x100000xf32, #tpu.memory_space<vmem>>, %arg7: memref<8x100000xf32, #tpu.memory_space<vmem>>, %arg8: memref<8x100000xf32, #tpu.memory_space<vmem>>, %arg9: memref<2x!tpu.dma_semaphore, #tpu.memory_space<semaphore_mem>>, %arg10: memref<2x!tpu.dma_semaphore, #tpu.memory_space<semaphore_mem>>) attributes {dimension_semantics = [#tpu.dimension_semantics<arbitrary>], iteration_bounds = array<i64: 128>, scalar_prefetch = 0 : i64, scratch_operands = 6 : i64, tpu.core_type = #tpu.core_type<tc>, window_params = [{}, {pipeline_mode = #tpu.pipeline_mode<synchronous>, transform_indices = @transform_1, window_bounds = array<i64: 1, 100000>}, {pipeline_mode = #tpu.pipeline_mode<synchronous>, transform_indices = @transform_2, window_bounds = array<i64: 1, 100000>}, {}]} {
    %rem3A = arith.constant 2 : i32
    %rem3A_0 = arith.remsi %arg0, %rem3A : i32
    %eq3A = arith.constant 0 : i32
    %eq3A_1 = arith.cmpi eq, %arg0, %eq3A : i32
    %convert_element_type3A = arith.extui %eq3A_1 : i1 to i32
    %cond3A = arith.constant 0 : i32
    %cond3A_2 = arith.cmpi ne, %convert_element_type3A, %cond3A : i32
    scf.if %cond3A_2 {
      %dma_start3A = arith.constant 0 : i32
      %dma_start3A_22 = tpu.memref_slice %arg9[%dma_start3A] : memref<2x!tpu.dma_semaphore, #tpu.memory_space<semaphore_mem>> -> memref<1x!tpu.dma_semaphore, #tpu.memory_space<semaphore_mem>>
      %dma_start3A_23 = tpu.memref_squeeze %dma_start3A_22 : memref<1x!tpu.dma_semaphore, #tpu.memory_space<semaphore_mem>> -> memref<!tpu.dma_semaphore, #tpu.memory_space<semaphore_mem>>
      %dma_start3A_24 = arith.constant 0 : i32
      %dma_start3A_25 = arith.constant 0 : i32
      %dma_start3A_26 = tpu.memref_slice %arg1[%dma_start3A_24, %dma_start3A_25] : memref<1024x100000xf32, #tpu.memory_space<hbm>> -> memref<8x100000xf32, #tpu.memory_space<hbm>>
      tpu.enqueue_dma source(%dma_start3A_26 : memref<8x100000xf32, #tpu.memory_space<hbm>>) target(%arg5 : memref<8x100000xf32, #tpu.memory_space<vmem>>) target_semaphore(%dma_start3A_23 : memref<!tpu.dma_semaphore, #tpu.memory_space<semaphore_mem>>)
      %dma_start3A_27 = arith.constant 1 : i32
      %dma_start3A_28 = tpu.memref_slice %arg9[%dma_start3A_27] : memref<2x!tpu.dma_semaphore, #tpu.memory_space<semaphore_mem>> -> memref<1x!tpu.dma_semaphore, #tpu.memory_space<semaphore_mem>>
      %dma_start3A_29 = tpu.memref_squeeze %dma_start3A_28 : memref<1x!tpu.dma_semaphore, #tpu.memory_space<semaphore_mem>> -> memref<!tpu.dma_semaphore, #tpu.memory_space<semaphore_mem>>
      %dma_start3A_30 = arith.constant 8 : i32
      %dma_start3A_31 = arith.constant 0 : i32
      %dma_start3A_32 = tpu.memref_slice %arg1[%dma_start3A_30, %dma_start3A_31] : memref<1024x100000xf32, #tpu.memory_space<hbm>> -> memref<8x100000xf32, #tpu.memory_space<hbm>>
      tpu.enqueue_dma source(%dma_start3A_32 : memref<8x100000xf32, #tpu.memory_space<hbm>>) target(%arg6 : memref<8x100000xf32, #tpu.memory_space<vmem>>) target_semaphore(%dma_start3A_29 : memref<!tpu.dma_semaphore, #tpu.memory_space<semaphore_mem>>)
    } else {
    }
    %ge3A = arith.constant 2 : i32
    %ge3A_3 = arith.cmpi sge, %arg0, %ge3A : i32
    %convert_element_type3A_4 = arith.extui %ge3A_3 : i1 to i32
    %cond3A_5 = arith.constant 0 : i32
    %cond3A_6 = arith.cmpi ne, %convert_element_type3A_4, %cond3A_5 : i32
    scf.if %cond3A_6 {
      %eq3A_22 = arith.constant 0 : i32
      %eq3A_23 = arith.cmpi eq, %rem3A_0, %eq3A_22 : i32
      %convert_element_type3A_24 = arith.extui %eq3A_23 : i1 to i32
      %cond3A_25 = arith.constant 0 : i32
      %cond3A_26 = arith.cmpi ne, %convert_element_type3A_24, %cond3A_25 : i32
      scf.if %cond3A_26 {
        %sub3A = arith.constant 2 : i32
        %sub3A_32 = arith.subi %arg0, %sub3A : i32
        %mul3A = arith.constant 8 : i32
        %mul3A_33 = arith.muli %sub3A_32, %mul3A : i32
        %dma_wait3A = arith.constant 0 : i32
        %dma_wait3A_34 = tpu.memref_slice %arg10[%dma_wait3A] : memref<2x!tpu.dma_semaphore, #tpu.memory_space<semaphore_mem>> -> memref<1x!tpu.dma_semaphore, #tpu.memory_space<semaphore_mem>>
        %dma_wait3A_35 = tpu.memref_squeeze %dma_wait3A_34 : memref<1x!tpu.dma_semaphore, #tpu.memory_space<semaphore_mem>> -> memref<!tpu.dma_semaphore, #tpu.memory_space<semaphore_mem>>
        %dma_wait3A_36 = arith.constant 0 : i32
        %dma_wait3A_37 = tpu.memref_slice %arg4[%mul3A_33, %dma_wait3A_36] : memref<1024x100000xf32, #tpu.memory_space<hbm>> -> memref<8x100000xf32, #tpu.memory_space<hbm>>
        tpu.wait_dma2 semaphore(%dma_wait3A_35 : memref<!tpu.dma_semaphore, #tpu.memory_space<semaphore_mem>>) src(%arg7 : memref<8x100000xf32, #tpu.memory_space<vmem>>) dst(%dma_wait3A_37 : memref<8x100000xf32, #tpu.memory_space<hbm>>)
      } else {
      }
      %eq3A_27 = arith.constant 1 : i32
      %eq3A_28 = arith.cmpi eq, %rem3A_0, %eq3A_27 : i32
      %convert_element_type3A_29 = arith.extui %eq3A_28 : i1 to i32
      %cond3A_30 = arith.constant 0 : i32
      %cond3A_31 = arith.cmpi ne, %convert_element_type3A_29, %cond3A_30 : i32
      scf.if %cond3A_31 {
        %sub3A = arith.constant 2 : i32
        %sub3A_32 = arith.subi %arg0, %sub3A : i32
        %mul3A = arith.constant 8 : i32
        %mul3A_33 = arith.muli %sub3A_32, %mul3A : i32
        %dma_wait3A = arith.constant 1 : i32
        %dma_wait3A_34 = tpu.memref_slice %arg10[%dma_wait3A] : memref<2x!tpu.dma_semaphore, #tpu.memory_space<semaphore_mem>> -> memref<1x!tpu.dma_semaphore, #tpu.memory_space<semaphore_mem>>
        %dma_wait3A_35 = tpu.memref_squeeze %dma_wait3A_34 : memref<1x!tpu.dma_semaphore, #tpu.memory_space<semaphore_mem>> -> memref<!tpu.dma_semaphore, #tpu.memory_space<semaphore_mem>>
        %dma_wait3A_36 = arith.constant 0 : i32
        %dma_wait3A_37 = tpu.memref_slice %arg4[%mul3A_33, %dma_wait3A_36] : memref<1024x100000xf32, #tpu.memory_space<hbm>> -> memref<8x100000xf32, #tpu.memory_space<hbm>>
        tpu.wait_dma2 semaphore(%dma_wait3A_35 : memref<!tpu.dma_semaphore, #tpu.memory_space<semaphore_mem>>) src(%arg8 : memref<8x100000xf32, #tpu.memory_space<vmem>>) dst(%dma_wait3A_37 : memref<8x100000xf32, #tpu.memory_space<hbm>>)
      } else {
      }
    } else {
    }
    %eq3A_7 = arith.constant 0 : i32
    %eq3A_8 = arith.cmpi eq, %rem3A_0, %eq3A_7 : i32
    %convert_element_type3A_9 = arith.extui %eq3A_8 : i1 to i32
    %cond3A_10 = arith.constant 0 : i32
    %cond3A_11 = arith.cmpi ne, %convert_element_type3A_9, %cond3A_10 : i32
    scf.if %cond3A_11 {
      %mul3A = arith.constant 8 : i32
      %mul3A_22 = arith.muli %arg0, %mul3A : i32
      %dma_wait3A = arith.constant 0 : i32
      %dma_wait3A_23 = tpu.memref_slice %arg9[%dma_wait3A] : memref<2x!tpu.dma_semaphore, #tpu.memory_space<semaphore_mem>> -> memref<1x!tpu.dma_semaphore, #tpu.memory_space<semaphore_mem>>
      %dma_wait3A_24 = tpu.memref_squeeze %dma_wait3A_23 : memref<1x!tpu.dma_semaphore, #tpu.memory_space<semaphore_mem>> -> memref<!tpu.dma_semaphore, #tpu.memory_space<semaphore_mem>>
      %dma_wait3A_25 = arith.constant 0 : i32
      %dma_wait3A_26 = tpu.memref_slice %arg1[%mul3A_22, %dma_wait3A_25] : memref<1024x100000xf32, #tpu.memory_space<hbm>> -> memref<8x100000xf32, #tpu.memory_space<hbm>>
      tpu.wait_dma2 semaphore(%dma_wait3A_24 : memref<!tpu.dma_semaphore, #tpu.memory_space<semaphore_mem>>) src(%dma_wait3A_26 : memref<8x100000xf32, #tpu.memory_space<hbm>>) dst(%arg5 : memref<8x100000xf32, #tpu.memory_space<vmem>>)
      %get3A = arith.constant 0 : index
      %get3A_27 = arith.constant 0 : index
      %get3A_28 = vector.load %arg5[%get3A, %get3A_27] : memref<8x100000xf32, #tpu.memory_space<vmem>>, vector<8x100000xf32>
      %get3A_29 = arith.constant 0 : index
      %get3A_30 = arith.constant 0 : index
      %get3A_31 = vector.load %arg2[%get3A_29, %get3A_30] : memref<1x100000xf32, #tpu.memory_space<vmem>>, vector<1x100000xf32>
      %mul3A_32 = vector.broadcast %get3A_31 : vector<1x100000xf32> to vector<8x100000xf32>
      %mul3A_33 = arith.mulf %get3A_28, %mul3A_32 : vector<8x100000xf32>
      %get3A_34 = arith.constant 0 : index
      %get3A_35 = arith.constant 0 : index
      %get3A_36 = vector.load %arg3[%get3A_34, %get3A_35] : memref<1x100000xf32, #tpu.memory_space<vmem>>, vector<1x100000xf32>
      %add3A = vector.broadcast %get3A_36 : vector<1x100000xf32> to vector<8x100000xf32>
      %add3A_37 = arith.addf %mul3A_33, %add3A : vector<8x100000xf32>
      %tanh3A = math.tanh %add3A_37 : vector<8x100000xf32>
      %add3A_38 = arith.constant 1.000000e+00 : f32
      %add3A_39 = vector.broadcast %add3A_38 : f32 to vector<8x100000xf32>
      %add3A_40 = arith.addf %add3A_39, %tanh3A : vector<8x100000xf32>
      %mul3A_41 = arith.mulf %get3A_28, %add3A_40 : vector<8x100000xf32>
      %swap3A = arith.constant 0 : index
      %swap3A_42 = arith.constant 0 : index
      %swap3A_43 = vector.load %arg7[%swap3A, %swap3A_42] : memref<8x100000xf32, #tpu.memory_space<vmem>>, vector<8x100000xf32>
      tpu.vector_store %arg7[%swap3A, %swap3A_42], %mul3A_41 {strides = array<i32>} : memref<8x100000xf32, #tpu.memory_space<vmem>>, vector<8x100000xf32>,
      %mul3A_44 = arith.constant 8 : i32
      %mul3A_45 = arith.muli %arg0, %mul3A_44 : i32
      %dma_start3A = arith.constant 0 : i32
      %dma_start3A_46 = tpu.memref_slice %arg10[%dma_start3A] : memref<2x!tpu.dma_semaphore, #tpu.memory_space<semaphore_mem>> -> memref<1x!tpu.dma_semaphore, #tpu.memory_space<semaphore_mem>>
      %dma_start3A_47 = tpu.memref_squeeze %dma_start3A_46 : memref<1x!tpu.dma_semaphore, #tpu.memory_space<semaphore_mem>> -> memref<!tpu.dma_semaphore, #tpu.memory_space<semaphore_mem>>
      %dma_start3A_48 = arith.constant 0 : i32
      %dma_start3A_49 = tpu.memref_slice %arg4[%mul3A_45, %dma_start3A_48] : memref<1024x100000xf32, #tpu.memory_space<hbm>> -> memref<8x100000xf32, #tpu.memory_space<hbm>>
      tpu.enqueue_dma source(%arg7 : memref<8x100000xf32, #tpu.memory_space<vmem>>) target(%dma_start3A_49 : memref<8x100000xf32, #tpu.memory_space<hbm>>) target_semaphore(%dma_start3A_47 : memref<!tpu.dma_semaphore, #tpu.memory_space<semaphore_mem>>)
      %add3A_50 = arith.constant 2 : i32
      %add3A_51 = arith.addi %arg0, %add3A_50 : i32
      %lt3A = arith.constant 128 : i32
      %lt3A_52 = arith.cmpi slt, %add3A_51, %lt3A : i32
      %convert_element_type3A_53 = arith.extui %lt3A_52 : i1 to i32
      %cond3A_54 = arith.constant 0 : i32
      %cond3A_55 = arith.cmpi ne, %convert_element_type3A_53, %cond3A_54 : i32
      scf.if %cond3A_55 {
        %add3A_56 = arith.constant 2 : i32
        %add3A_57 = arith.addi %arg0, %add3A_56 : i32
        %mul3A_58 = arith.constant 8 : i32
        %mul3A_59 = arith.muli %add3A_57, %mul3A_58 : i32
        %dma_start3A_60 = arith.constant 0 : i32
        %dma_start3A_61 = tpu.memref_slice %arg9[%dma_start3A_60] : memref<2x!tpu.dma_semaphore, #tpu.memory_space<semaphore_mem>> -> memref<1x!tpu.dma_semaphore, #tpu.memory_space<semaphore_mem>>
        %dma_start3A_62 = tpu.memref_squeeze %dma_start3A_61 : memref<1x!tpu.dma_semaphore, #tpu.memory_space<semaphore_mem>> -> memref<!tpu.dma_semaphore, #tpu.memory_space<semaphore_mem>>
        %dma_start3A_63 = arith.constant 0 : i32
        %dma_start3A_64 = tpu.memref_slice %arg1[%mul3A_59, %dma_start3A_63] : memref<1024x100000xf32, #tpu.memory_space<hbm>> -> memref<8x100000xf32, #tpu.memory_space<hbm>>
        tpu.enqueue_dma source(%dma_start3A_64 : memref<8x100000xf32, #tpu.memory_space<hbm>>) target(%arg5 : memref<8x100000xf32, #tpu.memory_space<vmem>>) target_semaphore(%dma_start3A_62 : memref<!tpu.dma_semaphore, #tpu.memory_space<semaphore_mem>>)
      } else {
      }
    } else {
    }
    %eq3A_12 = arith.constant 1 : i32
    %eq3A_13 = arith.cmpi eq, %rem3A_0, %eq3A_12 : i32
    %convert_element_type3A_14 = arith.extui %eq3A_13 : i1 to i32
    %cond3A_15 = arith.constant 0 : i32
    %cond3A_16 = arith.cmpi ne, %convert_element_type3A_14, %cond3A_15 : i32
    scf.if %cond3A_16 {
      %mul3A = arith.constant 8 : i32
      %mul3A_22 = arith.muli %arg0, %mul3A : i32
      %dma_wait3A = arith.constant 1 : i32
      %dma_wait3A_23 = tpu.memref_slice %arg9[%dma_wait3A] : memref<2x!tpu.dma_semaphore, #tpu.memory_space<semaphore_mem>> -> memref<1x!tpu.dma_semaphore, #tpu.memory_space<semaphore_mem>>
      %dma_wait3A_24 = tpu.memref_squeeze %dma_wait3A_23 : memref<1x!tpu.dma_semaphore, #tpu.memory_space<semaphore_mem>> -> memref<!tpu.dma_semaphore, #tpu.memory_space<semaphore_mem>>
      %dma_wait3A_25 = arith.constant 0 : i32
      %dma_wait3A_26 = tpu.memref_slice %arg1[%mul3A_22, %dma_wait3A_25] : memref<1024x100000xf32, #tpu.memory_space<hbm>> -> memref<8x100000xf32, #tpu.memory_space<hbm>>
      tpu.wait_dma2 semaphore(%dma_wait3A_24 : memref<!tpu.dma_semaphore, #tpu.memory_space<semaphore_mem>>) src(%dma_wait3A_26 : memref<8x100000xf32, #tpu.memory_space<hbm>>) dst(%arg6 : memref<8x100000xf32, #tpu.memory_space<vmem>>)
      %get3A = arith.constant 0 : index
      %get3A_27 = arith.constant 0 : index
      %get3A_28 = vector.load %arg6[%get3A, %get3A_27] : memref<8x100000xf32, #tpu.memory_space<vmem>>, vector<8x100000xf32>
      %get3A_29 = arith.constant 0 : index
      %get3A_30 = arith.constant 0 : index
      %get3A_31 = vector.load %arg2[%get3A_29, %get3A_30] : memref<1x100000xf32, #tpu.memory_space<vmem>>, vector<1x100000xf32>
      %mul3A_32 = vector.broadcast %get3A_31 : vector<1x100000xf32> to vector<8x100000xf32>
      %mul3A_33 = arith.mulf %get3A_28, %mul3A_32 : vector<8x100000xf32>
      %get3A_34 = arith.constant 0 : index
      %get3A_35 = arith.constant 0 : index
      %get3A_36 = vector.load %arg3[%get3A_34, %get3A_35] : memref<1x100000xf32, #tpu.memory_space<vmem>>, vector<1x100000xf32>
      %add3A = vector.broadcast %get3A_36 : vector<1x100000xf32> to vector<8x100000xf32>
      %add3A_37 = arith.addf %mul3A_33, %add3A : vector<8x100000xf32>
      %tanh3A = math.tanh %add3A_37 : vector<8x100000xf32>
      %add3A_38 = arith.constant 1.000000e+00 : f32
      %add3A_39 = vector.broadcast %add3A_38 : f32 to vector<8x100000xf32>
      %add3A_40 = arith.addf %add3A_39, %tanh3A : vector<8x100000xf32>
      %mul3A_41 = arith.mulf %get3A_28, %add3A_40 : vector<8x100000xf32>
      %swap3A = arith.constant 0 : index
      %swap3A_42 = arith.constant 0 : index
      %swap3A_43 = vector.load %arg8[%swap3A, %swap3A_42] : memref<8x100000xf32, #tpu.memory_space<vmem>>, vector<8x100000xf32>
      tpu.vector_store %arg8[%swap3A, %swap3A_42], %mul3A_41 {strides = array<i32>} : memref<8x100000xf32, #tpu.memory_space<vmem>>, vector<8x100000xf32>,
      %mul3A_44 = arith.constant 8 : i32
      %mul3A_45 = arith.muli %arg0, %mul3A_44 : i32
      %dma_start3A = arith.constant 1 : i32
      %dma_start3A_46 = tpu.memref_slice %arg10[%dma_start3A] : memref<2x!tpu.dma_semaphore, #tpu.memory_space<semaphore_mem>> -> memref<1x!tpu.dma_semaphore, #tpu.memory_space<semaphore_mem>>
      %dma_start3A_47 = tpu.memref_squeeze %dma_start3A_46 : memref<1x!tpu.dma_semaphore, #tpu.memory_space<semaphore_mem>> -> memref<!tpu.dma_semaphore, #tpu.memory_space<semaphore_mem>>
      %dma_start3A_48 = arith.constant 0 : i32
      %dma_start3A_49 = tpu.memref_slice %arg4[%mul3A_45, %dma_start3A_48] : memref<1024x100000xf32, #tpu.memory_space<hbm>> -> memref<8x100000xf32, #tpu.memory_space<hbm>>
      tpu.enqueue_dma source(%arg8 : memref<8x100000xf32, #tpu.memory_space<vmem>>) target(%dma_start3A_49 : memref<8x100000xf32, #tpu.memory_space<hbm>>) target_semaphore(%dma_start3A_47 : memref<!tpu.dma_semaphore, #tpu.memory_space<semaphore_mem>>)
      %add3A_50 = arith.constant 2 : i32
      %add3A_51 = arith.addi %arg0, %add3A_50 : i32
      %lt3A = arith.constant 128 : i32
      %lt3A_52 = arith.cmpi slt, %add3A_51, %lt3A : i32
      %convert_element_type3A_53 = arith.extui %lt3A_52 : i1 to i32
      %cond3A_54 = arith.constant 0 : i32
      %cond3A_55 = arith.cmpi ne, %convert_element_type3A_53, %cond3A_54 : i32
      scf.if %cond3A_55 {
        %add3A_56 = arith.constant 2 : i32
        %add3A_57 = arith.addi %arg0, %add3A_56 : i32
        %mul3A_58 = arith.constant 8 : i32
        %mul3A_59 = arith.muli %add3A_57, %mul3A_58 : i32
        %dma_start3A_60 = arith.constant 1 : i32
        %dma_start3A_61 = tpu.memref_slice %arg9[%dma_start3A_60] : memref<2x!tpu.dma_semaphore, #tpu.memory_space<semaphore_mem>> -> memref<1x!tpu.dma_semaphore, #tpu.memory_space<semaphore_mem>>
        %dma_start3A_62 = tpu.memref_squeeze %dma_start3A_61 : memref<1x!tpu.dma_semaphore, #tpu.memory_space<semaphore_mem>> -> memref<!tpu.dma_semaphore, #tpu.memory_space<semaphore_mem>>
        %dma_start3A_63 = arith.constant 0 : i32
        %dma_start3A_64 = tpu.memref_slice %arg1[%mul3A_59, %dma_start3A_63] : memref<1024x100000xf32, #tpu.memory_space<hbm>> -> memref<8x100000xf32, #tpu.memory_space<hbm>>
        tpu.enqueue_dma source(%dma_start3A_64 : memref<8x100000xf32, #tpu.memory_space<hbm>>) target(%arg6 : memref<8x100000xf32, #tpu.memory_space<vmem>>) target_semaphore(%dma_start3A_62 : memref<!tpu.dma_semaphore, #tpu.memory_space<semaphore_mem>>)
      } else {
      }
    } else {
    }
    %eq3A_17 = arith.constant 127 : i32
    %eq3A_18 = arith.cmpi eq, %arg0, %eq3A_17 : i32
    %convert_element_type3A_19 = arith.extui %eq3A_18 : i1 to i32
    %cond3A_20 = arith.constant 0 : i32
    %cond3A_21 = arith.cmpi ne, %convert_element_type3A_19, %cond3A_20 : i32
    scf.if %cond3A_21 {
      %eq3A_22 = arith.constant 0 : i32
      %eq3A_23 = arith.cmpi eq, %rem3A_0, %eq3A_22 : i32
      %convert_element_type3A_24 = arith.extui %eq3A_23 : i1 to i32
      %cond3A_25 = arith.constant 0 : i32
      %cond3A_26 = arith.cmpi ne, %convert_element_type3A_24, %cond3A_25 : i32
      scf.if %cond3A_26 {
        %sub3A = arith.constant 1 : i32
        %sub3A_32 = arith.subi %arg0, %sub3A : i32
        %mul3A = arith.constant 8 : i32
        %mul3A_33 = arith.muli %sub3A_32, %mul3A : i32
        %dma_wait3A = arith.constant 1 : i32
        %dma_wait3A_34 = tpu.memref_slice %arg10[%dma_wait3A] : memref<2x!tpu.dma_semaphore, #tpu.memory_space<semaphore_mem>> -> memref<1x!tpu.dma_semaphore, #tpu.memory_space<semaphore_mem>>
        %dma_wait3A_35 = tpu.memref_squeeze %dma_wait3A_34 : memref<1x!tpu.dma_semaphore, #tpu.memory_space<semaphore_mem>> -> memref<!tpu.dma_semaphore, #tpu.memory_space<semaphore_mem>>
        %dma_wait3A_36 = arith.constant 0 : i32
        %dma_wait3A_37 = tpu.memref_slice %arg4[%mul3A_33, %dma_wait3A_36] : memref<1024x100000xf32, #tpu.memory_space<hbm>> -> memref<8x100000xf32, #tpu.memory_space<hbm>>
        tpu.wait_dma2 semaphore(%dma_wait3A_35 : memref<!tpu.dma_semaphore, #tpu.memory_space<semaphore_mem>>) src(%arg8 : memref<8x100000xf32, #tpu.memory_space<vmem>>) dst(%dma_wait3A_37 : memref<8x100000xf32, #tpu.memory_space<hbm>>)
        %mul3A_38 = arith.constant 8 : i32
        %mul3A_39 = arith.muli %arg0, %mul3A_38 : i32
        %dma_wait3A_40 = arith.constant 0 : i32
        %dma_wait3A_41 = tpu.memref_slice %arg10[%dma_wait3A_40] : memref<2x!tpu.dma_semaphore, #tpu.memory_space<semaphore_mem>> -> memref<1x!tpu.dma_semaphore, #tpu.memory_space<semaphore_mem>>
        %dma_wait3A_42 = tpu.memref_squeeze %dma_wait3A_41 : memref<1x!tpu.dma_semaphore, #tpu.memory_space<semaphore_mem>> -> memref<!tpu.dma_semaphore, #tpu.memory_space<semaphore_mem>>
        %dma_wait3A_43 = arith.constant 0 : i32
        %dma_wait3A_44 = tpu.memref_slice %arg4[%mul3A_39, %dma_wait3A_43] : memref<1024x100000xf32, #tpu.memory_space<hbm>> -> memref<8x100000xf32, #tpu.memory_space<hbm>>
        tpu.wait_dma2 semaphore(%dma_wait3A_42 : memref<!tpu.dma_semaphore, #tpu.memory_space<semaphore_mem>>) src(%arg7 : memref<8x100000xf32, #tpu.memory_space<vmem>>) dst(%dma_wait3A_44 : memref<8x100000xf32, #tpu.memory_space<hbm>>)
      } else {
      }
      %eq3A_27 = arith.constant 1 : i32
      %eq3A_28 = arith.cmpi eq, %rem3A_0, %eq3A_27 : i32
      %convert_element_type3A_29 = arith.extui %eq3A_28 : i1 to i32
      %cond3A_30 = arith.constant 0 : i32
      %cond3A_31 = arith.cmpi ne, %convert_element_type3A_29, %cond3A_30 : i32
      scf.if %cond3A_31 {
        %sub3A = arith.constant 1 : i32
        %sub3A_32 = arith.subi %arg0, %sub3A : i32
        %mul3A = arith.constant 8 : i32
        %mul3A_33 = arith.muli %sub3A_32, %mul3A : i32
        %dma_wait3A = arith.constant 0 : i32
        %dma_wait3A_34 = tpu.memref_slice %arg10[%dma_wait3A] : memref<2x!tpu.dma_semaphore, #tpu.memory_space<semaphore_mem>> -> memref<1x!tpu.dma_semaphore, #tpu.memory_space<semaphore_mem>>
        %dma_wait3A_35 = tpu.memref_squeeze %dma_wait3A_34 : memref<1x!tpu.dma_semaphore, #tpu.memory_space<semaphore_mem>> -> memref<!tpu.dma_semaphore, #tpu.memory_space<semaphore_mem>>
        %dma_wait3A_36 = arith.constant 0 : i32
        %dma_wait3A_37 = tpu.memref_slice %arg4[%mul3A_33, %dma_wait3A_36] : memref<1024x100000xf32, #tpu.memory_space<hbm>> -> memref<8x100000xf32, #tpu.memory_space<hbm>>
        tpu.wait_dma2 semaphore(%dma_wait3A_35 : memref<!tpu.dma_semaphore, #tpu.memory_space<semaphore_mem>>) src(%arg7 : memref<8x100000xf32, #tpu.memory_space<vmem>>) dst(%dma_wait3A_37 : memref<8x100000xf32, #tpu.memory_space<hbm>>)
        %mul3A_38 = arith.constant 8 : i32
        %mul3A_39 = arith.muli %arg0, %mul3A_38 : i32
        %dma_wait3A_40 = arith.constant 1 : i32
        %dma_wait3A_41 = tpu.memref_slice %arg10[%dma_wait3A_40] : memref<2x!tpu.dma_semaphore, #tpu.memory_space<semaphore_mem>> -> memref<1x!tpu.dma_semaphore, #tpu.memory_space<semaphore_mem>>
        %dma_wait3A_42 = tpu.memref_squeeze %dma_wait3A_41 : memref<1x!tpu.dma_semaphore, #tpu.memory_space<semaphore_mem>> -> memref<!tpu.dma_semaphore, #tpu.memory_space<semaphore_mem>>
        %dma_wait3A_43 = arith.constant 0 : i32
        %dma_wait3A_44 = tpu.memref_slice %arg4[%mul3A_39, %dma_wait3A_43] : memref<1024x100000xf32, #tpu.memory_space<hbm>> -> memref<8x100000xf32, #tpu.memory_space<hbm>>
        tpu.wait_dma2 semaphore(%dma_wait3A_42 : memref<!tpu.dma_semaphore, #tpu.memory_space<semaphore_mem>>) src(%arg8 : memref<8x100000xf32, #tpu.memory_space<vmem>>) dst(%dma_wait3A_44 : memref<8x100000xf32, #tpu.memory_space<hbm>>)
      } else {
      }
    } else {
    }
    return
  }
  func.func @transform_1(%arg0: i32) -> (i32, i32) {
    %c0_i32 = arith.constant 0 : i32
    %c0_i32_0 = arith.constant 0 : i32
    %c0_i32_1 = arith.constant 0 : i32
    return %c0_i32, %c0_i32_0 : i32, i32
  }
  func.func @transform_2(%arg0: i32) -> (i32, i32) {
    %c0_i32 = arith.constant 0 : i32
    %c0_i32_0 = arith.constant 0 : i32
    %c0_i32_1 = arith.constant 0 : i32
    return %c0_i32, %c0_i32_0 : i32, i32
  }
}

</mosaic_0001>

<sc_bundles>
// kernel: kernel.5.cloned.1.call-start
scs
__scs_entry_jumppad:
0x0: {  	(pc) =	sbr.rel $0x88, $3  }
0x1: {  	(tag) =	ssettag $0x0;
	lr =	simm.s32 $0x1  }
0x2: {  	[smem:$0x3F96] =	sst lr;
	_ =	strace $0xD0000000  }
0x3: {  	_ = 	snop  }
0x4: {  	_ = 	snop  }
0x5: {  	_ = 	snop  }
0x6: {  	_ = 	snop  }
0x7: {  	_ = 	snop  }
__scs_overlays_trampoline_lowered:
0x8: {  	[smem:$0x3FA5] =	sst s0  }
0x9: {  	[smem:$0x3FA6] =	sst s1  }
0xa: {  	[smem:$0x3FA7] =	sst s2  }
0xb: {  	[smem:$0x3FA8] =	sst s3  }
0xc: {  	[smem:$0x3FA9] =	sst s4  }
0xd: {  	[smem:$0x3FAA] =	sst s5  }
0xe: {  	[smem:$0x3FAB] =	sst s6  }
0xf: {  	[smem:$0x3FAC] =	sst s7  }
0x10: {  	[smem:$0x3FAD] =	sst s8  }
0x11: {  	[smem:$0x3FAE] =	sst s9;
	s0 =	simm.s32 @!p0 $0x0  }
0x12: {  	s1 =	sld [smem:$0x3F94];
	s0 =	simm.s32 @p0 $0x1  }
0x13: {  	[smem:$0x3FAF] =	sst s0;
	s0 =	simm.s32 @!p1 $0x0  }
0x14: {  	s2 =	sld [smem:$0x3F93];
	s0 =	simm.s32 @p1 $0x1  }
0x15: {  	[smem:$0x3FB0] =	sst s0;
	s0 =	simm.s32 @!p2 $0x0  }
0x16: {  	s3 =	sld [smem:$0x3FDB];
	s0 =	simm.s32 @p2 $0x1  }
0x17: {  	s4 =	simm.s32 $0x1BF5;
	[smem:$0x3FB2] =	sst s0  }
0x18: {  	s0 =	sld [smem:$0x3F95];
	_ =	swait.ge [sflag:s4], $0x0  }
0x19: {  	s7 =	sld [smem:$0x3F96]  }
0x1a: {  	s8 =	sadd.s32 $0xFFFFE003, lr  }
0x1b: {  	s9 =	sadd.s32 $0xFFFFFEF7, lr;
	s5 =	simm.s32 $0xFFFFFFFF;
	p2 =	slt.u32 s8, $0xFFFFF086  }
0x1c: {  	p1 =	slt.u32 s9, $0xF7A;
	s5 =	simm.s32 @!p2 $0x0  }
0x1d: {  	s5 =	simm.s32 @p1 $0x1;
	p0 =	seq.s32 s7, s2  }
0x1e: {  	s7 =	smul.u32 @!p0 $0xF7A, s2;
	p2 =	seq.s32 @!p0 s5, $0x0  }
0x1f: {  	s9 =	smul.u32 $0xF7A, s1;
	s8 =	simm.s32 @!p0 $0x1BF5;
	p2 =	por !p2, p0  }
0x20: {  	[sflag:s8] =	ssyncset.s32 @!p0 $0xFFFFF086;
	s6 =	sadd.s32 @!p0 s3, s7;
	s7 =	simm.s32 @!p0 $0x108  }
0x21: {  	s3 =	sadd.s32 s3, s9;
	s6 =	sadd.s32 @!p0 $0x88, s6;
	s7 =	simm.s32 @p2 $0x1082  }
0x22: {  	[simem:s7], [sflag:s8] =	dma.local @!p0 [hbm:s6], $0xF7A  }
0x23: {  	s9 =	sor.u32 $0xD0000000, s2;
	s6 =	simm.s32 $0x108;
	_ =	swait.ge @!p0 [sflag:s8], $0x0  }
0x24: {  	s3 =	sadd.s32 $0x88, s3;
	s6 =	simm.s32 @!p1 $0x1082;
	[sflag:s4] =	ssyncset.s32 $0xFFFFF086  }
0x25: {  	[simem:s6], [sflag:s4] =	dma.local [hbm:s3], $0xF7A  }
0x26: {  	[smem:$0x3F96] =	sst s1;
	(tag) =	ssettag s2;
	_ =	strace s9  }
0x27: {  	s1 =	sld [smem:$0x3FA6]  }
0x28: {  	s2 =	sld [smem:$0x3FA7]  }
0x29: {  	s4 =	sld [smem:$0x3FA9]  }
0x2a: {  	p0 =	seq.s32 s5, $0x0;
	s5 =	sld [smem:$0x3FAA]  }
0x2b: {  	s6 =	sld [smem:$0x3FAB]  }
0x2c: {  	s7 =	sld [smem:$0x3FAC]  }
0x2d: {  	s3 =	simm.s32 $0x108;
	s8 =	sld [smem:$0x3FAD]  }
0x2e: {  	s3 =	simm.s32 @!p0 $0x1082;
	s9 =	sld [smem:$0x3FAE]  }
0x2f: {  	lr =	sadd.s32 s0, s3;
	s0 =	sld [smem:$0x3FA5]  }
0x30: {  	s3 =	sld [smem:$0x3FA8]  }
0x31: {  	[smem:$0x3FB1] =	sst s10  }
0x32: {  	s10 =	sld [smem:$0x3FAF];
	_ =	sdelay $0x3  }
0x33: {  	p0 =	seq.s32 s10, $0x1;
	s10 =	sld [smem:$0x3FB1];
	_ =	sdelay $0x3  }
0x34: {  	[smem:$0x3FB1] =	sst s10  }
0x35: {  	s10 =	sld [smem:$0x3FB0];
	_ =	sdelay $0x3  }
0x36: {  	p1 =	seq.s32 s10, $0x1;
	s10 =	sld [smem:$0x3FB1];
	_ =	sdelay $0x3  }
0x37: {  	[smem:$0x3FB1] =	sst s10  }
0x38: {  	s10 =	sld [smem:$0x3FB2]  }
0x39: {  	_ = 	snop;
	(pc) =	sbr.ind lr, $3  }
0x3a: {  	_ = 	snop  }
0x3b: {  	_ = 	snop  }
0x3c: {  	p2 =	seq.s32 s10, $0x1;
	s10 =	sld [smem:$0x3FB1]  }
0x3d: {  	_ =	shalt  }
0x3e: {  	_ =	shalt  }
0x3f: {  	_ =	shalt  }
0x40: {  	_ =	shalt  }
0x41: {  	_ =	shalt  }
0x42: {  	_ =	shalt  }
0x43: {  	_ =	shalt  }
0x44: {  	_ =	shalt  }
0x45: {  	_ =	shalt  }
0x46: {  	_ =	shalt  }
0x47: {  	_ =	shalt  }
0x48: {  	_ =	shalt  }
0x49: {  	_ =	shalt  }
0x4a: {  	_ =	shalt  }
0x4b: {  	_ =	shalt  }
0x4c: {  	_ =	shalt  }
0x4d: {  	_ =	shalt  }
0x4e: {  	_ =	shalt  }
0x4f: {  	_ =	shalt  }
0x50: {  	_ =	shalt  }
0x51: {  	_ =	shalt  }
0x52: {  	_ =	shalt  }
0x53: {  	_ =	shalt  }
0x54: {  	_ =	shalt  }
0x55: {  	_ =	shalt  }
0x56: {  	_ =	shalt  }
0x57: {  	_ =	shalt  }
0x58: {  	_ =	shalt  }
0x59: {  	_ =	shalt  }
0x5a: {  	_ =	shalt  }
0x5b: {  	_ =	shalt  }
0x5c: {  	_ =	shalt  }
0x5d: {  	_ =	shalt  }
0x5e: {  	_ =	shalt  }
0x5f: {  	_ =	shalt  }
0x60: {  	_ =	shalt  }
0x61: {  	_ =	shalt  }
0x62: {  	_ =	shalt  }
0x63: {  	_ =	shalt  }
0x64: {  	_ =	shalt  }
0x65: {  	_ =	shalt  }
0x66: {  	_ =	shalt  }
0x67: {  	_ =	shalt  }
0x68: {  	_ =	shalt  }
0x69: {  	_ =	shalt  }
0x6a: {  	_ =	shalt  }
0x6b: {  	_ =	shalt  }
0x6c: {  	_ =	shalt  }
0x6d: {  	_ =	shalt  }
0x6e: {  	_ =	shalt  }
0x6f: {  	_ =	shalt  }
0x70: {  	_ =	shalt  }
0x71: {  	_ =	shalt  }
0x72: {  	_ =	shalt  }
0x73: {  	_ =	shalt  }
0x74: {  	_ =	shalt  }
0x75: {  	_ =	shalt  }
0x76: {  	_ =	shalt  }
0x77: {  	_ =	shalt  }
0x78: {  	_ =	shalt  }
0x79: {  	_ =	shalt  }
0x7a: {  	_ =	shalt  }
0x7b: {  	_ =	shalt  }
0x7c: {  	_ =	shalt  }
0x7d: {  	_ =	shalt  }
0x7e: {  	_ =	shalt  }
0x7f: {  	_ =	shalt  }
0x80: {  	_ =	shalt  }
0x81: {  	_ =	shalt  }
0x82: {  	_ =	shalt  }
0x83: {  	_ =	shalt  }
0x84: {  	_ =	shalt  }
0x85: {  	_ =	shalt  }
0x86: {  	_ =	shalt  }
0x87: {  	_ =	shalt  }
.Lfunc_end0:
.L_simem_size_0:
called_computation_lowered:
.L_overlay_start_0:
0x88: {  	s2 =	sld [smem:$0x3FD9]  }
0x89: {  	s3 =	sld [smem:$0x3FFE];
	_ =	sdelay $0x1  }
0x8a: {  	s1 =	srdreg.scid  }
0x8b: {  	s0 =	sand.u32 $0x1, s1  }
0x8c: {  	s17 =	sshll.u32 s0, $0xA;
	s2 =	sadd.s32 s3, s2  }
0x8d: {  	s2 =	sadd.s32 s2, s17  }
0x8e: {  	[smem:$0x3FBD] =	sst s2  }
0x8f: {  	_ = 	snop  }
0x90: {  	s2 =	sld [smem:$0x3FD0];
	(tm) =	ssettm $0x1  }
0x91: {  	s18 =	sld [smem:$0x3FFB];
	_ =	sdelay $0x3  }
0x92: {  	_ =	strace s18  }
0x93: {  	s3 =	sld [smem:$0x3FFC];
	_ =	sdelay $0x3  }
0x94: {  	_ =	strace s3  }
0x95: {  	s3 =	sld [smem:$0x3FFD];
	_ =	sdelay $0x3  }
0x96: {  	_ =	strace s3  }
0x97: {  	_ =	strace $0x8FFFFFFF  }
0x98: {  	s19 =	sld [smem:$0x3FDB];
	_ =	sdelay $0x1  }
0x99: {  	s4 =	simm.s32 $_scs_section_size  }
0x9a: {  	s5 =	simm.s32 $_size__tile_overlayer_lowered;
	s6 =	simm.s32 $_tile_overlayer_lowered  }
0x9b: {  	s22 =	simm.s32 $0x1BFF;
	s21 =	sshll.u32 s6, $0x1;
	s3 =	sadd.s32 s4, s19  }
0x9c: {  	s7 =	simm.s32 $0x0;
	s20 =	sshll.u32 s5, $0x1;
	s5 =	sadd.s32 s21, s3  }
0x9d: {  	[timem:s7], [sflag:s22] =	dma.local [hbm:s5], s20  }
0x9e: {  	_ =	swait.ge [sflag:s22], s20  }
0x9f: {  	s4 =	ssub.s32 $0x0, s20;
	[sflag:s22] =	ssyncset.done $0x0  }
0xa0: {  	[sflag:s22] =	ssyncadd.s32 s4;
	_ =	sdelay $0x1  }
0xa1: {  	s23 =	simm.s32 $0x1B8B  }
0xa2: {  	_ =	swait.ge [sflag:s23], $0x1  }
0xa3: {  	[sflag:s23] =	ssyncset.done $0x0  }
0xa4: {  	s25 =	simm.s32 $0x1B8E;
	s24 =	sld [smem:$0x3FFE];
	[sflag:s23] =	ssyncadd.s32 $0xFFFFFFFF  }
0xa5: {  	s26 =	simm.s32 $execute0_lowered;
	[smem:$0x3FD2] =	sst s25  }
0xa6: {  	s5 =	sshll.u32 s26, $0x1;
	_ =	strace $0x80000046;
	[dreg:$0x1] =	wrdreg $0xFFFFFFFF  }
0xa7: {  	s28 =	simm.s32 $_size_execute0_lowered;
	s3 =	sadd.s32 s3, s5;
	[dreg:$0x0] =	wrdreg $0x0  }
0xa8: {  	s5 =	sshll.u32 s28, $0x1;
	[dreg:$0x2] =	wrdreg s3  }
0xa9: {  	[dreg:$0x3] =	wrdreg s5  }
0xaa: {  	[dreg:$0x4] =	wrdreg $0xC0  }
0xab: {  	_ =	task [dreg:s7], $0x5FFFF  }
0xac: {  	[dreg:$0x1] =	wrdreg $0xFFFFFFFF  }
0xad: {  	[dreg:$0x0] =	wrdreg $0x60  }
0xae: {  	[dreg:$0x2] =	wrdreg s2  }
0xaf: {  	[dreg:$0x3] =	wrdreg s24  }
0xb0: {  	[dreg:$0x4] =	wrdreg $0x9  }
0xb1: {  	_ =	task.clear_ibuf [dreg:s7], $0x5FFFF;
	_ =	strace $0x90000046  }
0xb2: {  	s29 =	simm.s32 $0x9;
	_ =	strace $0x80000048  }
0xb3: {  	_ =	swait.ge [sflag:s29], $0x1  }
0xb4: {  	[sflag:s29] =	ssyncadd.s32 $0xFFFFFFFF  }
0xb5: {  	_ =	strace $0x90000048  }
0xb6: {  	_ =	sfence  }
0xb7: {  	s30 =	sld [smem:$0x0];
	_ =	sdelay $0x2  }
0xb8: {  	s31 =	sshll.u32 s1, $0xD;
	s1 =	sshrl.u32 s1, $0x2  }
0xb9: {  	s3 =	sand.u32 $0x4000, s31;
	s1 =	sadd.s32 s1, s30  }
0xba: {  	s0 =	sor.u32 s3, s0;
	s1 =	sshll.u32 s1, $0x11  }
0xbb: {  	s0 =	sor.u32 s1, s0  }
0xbc: {  	s0 =	sadd.s32 $0x8F2B, s0  }
0xbd: {  	[sflag:s0] =	ssyncadd.remote.s32 $0x1  }
0xbe: {  	_ =	sfence.sel $0xFFFF  }
0xbf: {  	[dreg:$0x0] =	wrdreg $0xFFFFFFFF;
	(pc) =	sbr.abs _section_cstart, $3  }
0xc0: {  	[dreg:$0x1] =	wrdreg $0xFFFFFFFF  }
0xc1: {  	_ =	task.clear_ibuf [dreg:s7], $0x2FFFF;
	_ =	strace $0x9FFFFFFF  }
0xc2: {  	(tm) =	ssettm $0x7FFFFFFF  }
0xc3: {  	_ =	shalt  }
tec
execute0_lowered:
.L_overlay_start_1:
0x0: {  	(tag) =	ssettag $0x1  }
0x1: {  	s5 =	rddreg [dreg:$0x0]  }
0x2: {  	s6 =	rddreg [dreg:$0x1]  }
0x3: {  	s0 =	rddreg [dreg:$0x2];
	s3 =	srdreg.scid  }
0x4: {  	s1 =	stileid.u32;
	s2 =	simm.s32 $0x0;
	s11 =	simm.s32 $0x2600  }
0x5: {  	s12 =	simm.s32 $0xC80;
	s13 =	simm.s32 $0x1900;
	s14 =	simm.s32 $0x0  }
0x6: {  	s3 =	sand.u32 $0x1, s3;
	s4 =	sshll.u32 s1, $0x1;
	[smem:$0x7FF] =	sst s2  }
0x7: {  	s4 =	sor.u32 s3, s4;
	_ =	strace $0x80000047;
	s8 =	ssub.s32 $0x2, s3  }
0x8: {  	s3 =	sadd.s32 $0x1C00, s6;
	s7 =	smul.u32 $0x188, s4;
	s9 =	sshrl.u32 s8, $0x1  }
0x9: {  	s4 =	sadd.s32 $0x1E00, s6;
	s8 =	ssub.s32 s8, s9;
	s9 =	simm.s32 $0x1  }
0xa: {  	s10 =	sadd.s32 s7, s6;
	s5 =	sadd.s32 s5, s7;
	s8 =	smax.u32 s8, $0x1  }
0xb: {  	s6 =	sadd.s32 $0x2000, s10;
	s7 =	sadd.s32 $0x5200, s10;
	s10 =	simm.s32 $0x2580  }
.LBB2_1:
0xc: {  	[tilespmem:s2], [sflag:$0x1] =	stream.linear.gather [hbm4b:s5+s2], $0xC40, $0x38;
	[tilespmem:$0x2680] =	vst v63  }
0xd: {  	_ =	swait.ge [sflag:s9], $0xC40  }
0xe: {  	[sflag:s9] =	ssyncset.done $0x0  }
0xf: {  	[sflag:s9] =	ssyncadd.s32 $0xFFFFF3C0  }
0x10: {  	[tilespmem:s10], [sflag:$0x1] =	stream.linear.gather [hbm4b:s3+s2], $0x80, $0x38;
	[tilespmem:$0x2680] =	vst v63  }
0x11: {  	_ =	swait.ge [sflag:s9], $0x80  }
0x12: {  	[sflag:s9] =	ssyncset.done $0x0  }
0x13: {  	[sflag:s9] =	ssyncadd.s32 $0xFFFFFF80  }
0x14: {  	[tilespmem:s11], [sflag:$0x1] =	stream.linear.gather [hbm4b:s4+s2], $0x80, $0x38;
	[tilespmem:$0x2680] =	vst v63  }
0x15: {  	_ =	swait.ge [sflag:s9], $0x80  }
0x16: {  	[sflag:s9] =	ssyncset.done $0x0  }
0x17: {  	[sflag:s9] =	ssyncadd.s32 $0xFFFFFF80  }
0x18: {  	s15 =	simm.s32 $0x0;
	v0 =	vld [tilespmem:$0x2580]  }
0x19: {  	v2 =	vld [tilespmem:s15+$0x0]  }
0x1a: {  	v1 =	vld [tilespmem:$0x2600];
	_ =	sdelay $0x1  }
0x1b: {  	s16 =	simm.s32 $0x40  }
.LBB2_2:
0x1c: {  	p0 =	sne.s32 s16, $0x30C0  }
.Ltmp0:
0x1d: {  	s17 =	sshra.s32 s16, $0x2;
	s16 =	sadd.s32 $0x40, s16;
	v3 =	vand.u32 $0xF, v2;
	(pc) =	sbr.rel @p0 .LBB2_2-.Ltmp0, $3  }
0x1e: {  	v2 =	vld [tilespmem:s17+$0x0];
	v4 =	vperm.xlane v0, v3;
	v3 =	vperm.xlane v1, v3;
	_ =	sdelay $0x1  }
0x1f: {  	[tilespmem:s15+$0x1900] =	vst v3  }
0x20: {  	[tilespmem:s15+$0xC80] =	vst v4;
	s15 =	smov.u32 s17  }
0x21: {  	_ = 	snop  }
0x22: {  	v2 =	vand.u32 $0xF, v2  }
0x23: {  	v1 =	vperm.xlane v1, v2  }
0x24: {  	v0 =	vperm.xlane v0, v2  }
0x25: {  	[tilespmem:s15+$0x1900] =	vst v1  }
0x26: {  	[tilespmem:s15+$0xC80] =	vst v0  }
0x27: {  	[hbm4b:s6+s2] =	stream.linear.scatter [tilespmem:s12], [sflag:$0x1], $0xC40, $0x38;
	[tilespmem:$0x2680] =	vst v63  }
0x28: {  	s14 =	sadd.s32 $0x1, s14;
	_ =	swait.ge [sflag:s9], $0xC40  }
0x29: {  	p0 =	sne.s32 s14, s8;
	[sflag:s9] =	ssyncset.done $0x0  }
.Ltmp1:
0x2a: {  	[sflag:s9] =	ssyncadd.s32 $0xFFFFF3C0;
	(pc) =	sbr.rel @p0 .LBB2_1-.Ltmp1, $4  }
0x2b: {  	[hbm4b:s7+s2] =	stream.linear.scatter [tilespmem:s13], [sflag:$0x1], $0xC40, $0x38;
	[tilespmem:$0x2680] =	vst v63  }
0x2c: {  	_ =	swait.ge [sflag:s9], $0xC40  }
0x2d: {  	[sflag:s9] =	ssyncset.done $0x0  }
0x2e: {  	[sflag:s9] =	ssyncadd.s32 $0xFFFFF3C0  }
0x2f: {  	_ =	sfence.sel $0x180000  }
0x30: {  	[bflag:$0x0] =	sbarrier.arrive $0xFFFF  }
0x31: {  	p0 =	sne.s32 s1, $0x0;
	_ =	strace $0x90000047  }
0x32: {  	s0 =	sadd.s32 @!p0 $0x100000, s0;
	[bflag:$0x2] =	sbarrier.arrive $0xFFFF  }
0x33: {  	[sflag:s0] =	ssyncadd.tile.s32 @!p0 $0x1;
	_ =	shalt  }
.Lfunc_end2:
_tile_overlayer_lowered:
.L_overlay_start_2:
0x34: {  	(tag) =	ssettag $0x2  }
0x35: {  	s0 =	rddreg [dreg:$0x0];
	s2 =	stileid.u32  }
0x36: {  	s1 =	rddreg [dreg:$0x1];
	p0 =	sne.s32 s2, $0x0  }
0x37: {  	s3 =	rddreg [dreg:$0x2];
	[bflag:$0x3] =	sbarrier.arrive $0xFFFF;
	s2 =	simm.s32 @!p0 $0x1C01  }
0x38: {  	[timem:s3], [sflag:s2] =	dma.local @!p0 [hbm:s0], s1  }
0x39: {  	s0 =	simm.s32 @!p0 $0x1  }
0x3a: {  	_ =	swait.ge @!p0 [sflag:s0], s1  }
0x3b: {  	s1 =	ssub.s32 @!p0 $0x0, s1;
	[sflag:s0] =	ssyncset.done @!p0 $0x0  }
0x3c: {  	[sflag:s0] =	ssyncadd.s32 @!p0 s1  }
0x3d: {  	[bflag:$0x3] =	sbarrier.arrive $0xFFFF  }
0x3e: {  	_ =	shalt  }

</sc_bundles>
